<compile_context>
chip_gen: v7x
topology: tpu7x:2x2x1
jax: 0.10.2.dev20260603
libtpu: 0.0.44.dev20260713+nightly
codegen_flags: <defaults>
</compile_context>

<pallas_src>
import functools

import jax
import jax.numpy as jnp
from jax import lax
from jax.experimental import pallas as pl
from jax.experimental.pallas import tpu as pltpu
from jax.experimental.pallas import tpu_sc as plsc

NC = 2
NS = 16
NW = NC * NS


def _make_emb(V, D, B):
    assert B % NW == 0
    bpw = B // NW
    CH = 8
    NB = 3
    nchunk = bpw // CH
    assert nchunk % NB == 1 and nchunk >= 7

    mesh = plsc.VectorSubcoreMesh(core_axis_name="c", subcore_axis_name="s")

    @functools.partial(
        pl.kernel,
        mesh=mesh,
        out_type=jax.ShapeDtypeStruct((B, D), jnp.float32),
        scratch_types=[
            pltpu.VMEM((bpw,), jnp.int32),
            pltpu.VMEM((NB, CH, D), jnp.float32),
            pltpu.SemaphoreType.DMA,
            pltpu.SemaphoreType.DMA,
            pltpu.SemaphoreType.DMA,
            pltpu.SemaphoreType.DMA,
            pltpu.SemaphoreType.DMA,
            pltpu.SemaphoreType.DMA,
        ],
    )
    def emb(table_hbm, idx_hbm, out_hbm, idx_v, rows_v, g0, g1, g2, o0, o1, o2):
        wid = lax.axis_index("s") * NC + lax.axis_index("c")
        base = wid * bpw
        gsem = (g0, g1, g2)
        osem = (o0, o1, o2)

        pltpu.sync_copy(idx_hbm.at[pl.ds(base, bpw)], idx_v)

        def gather_desc(c, b):
            return pltpu.make_async_copy(
                table_hbm.at[idx_v.at[pl.ds(c * CH, CH)]],
                rows_v.at[b],
                gsem[b],
            )

        def out_desc(c, b):
            return pltpu.make_async_copy(
                rows_v.at[b],
                out_hbm.at[pl.ds(base + c * CH, CH)],
                osem[b],
            )

        for b in range(NB):
            gather_desc(b, b).start()
        for b in range(NB):
            gather_desc(b, b).wait()
            out_desc(b, b).start()

        @pl.loop(0, nchunk - 2 * NB, step=NB)
        def _(g):
            for k in range(NB):
                c = g + k
                out_desc(c, k).wait()
                out_desc(c + NB, k).start()

        out_desc(nchunk - 4, (nchunk - 4) % NB).wait()
        out_desc(nchunk - 1, (nchunk - 1) % NB).start()
        for c in (nchunk - 3, nchunk - 2, nchunk - 1):
            out_desc(c, c % NB).wait()

    return emb


def kernel(x, table):
    V, D = table.shape
    B = x.size
    emb = _make_emb(V, D, B)
    out = emb(table, x.reshape(-1))
    return out.reshape(*x.shape, D)

# --- scband reference (transcript-rebuilt; emitter-appended) ---
"""Pipeline reference for scband-emb-1065151889964 (READ-ONLY COPY).

The authoritative reference and input builder live on the scoring server;
editing this copy changes nothing except your own understanding.
"""

import jax, jax.numpy as jnp
import numpy as np

VOCAB = 32000
D_MODEL = 4096
BATCH = 4
SEQ = 4096

def setup_inputs(seed: int = 0) -> dict:
    key = jax.random.key(seed)
    k_idx, k_tab = jax.random.split(key)
    x = jax.random.randint(k_idx, (BATCH, SEQ), 0, VOCAB, dtype=jnp.int64 if jax.config.jax_enable_x64 else jnp.int32)
    table = jax.random.normal(k_tab, (VOCAB, D_MODEL), dtype=jnp.float32) * 0.02
    return {"x": x, "table": table}

def reference(x, table):
    # torch.nn.Embedding forward == row gather from the weight table
    return jnp.take(table, x, axis=0)

if __name__ == "__main__":
    import jax
    _d = setup_inputs()
    print(jax.jit(kernel)(*tuple(_d.values())))

</pallas_src>

<mosaic_0001>
#map = affine_map<(d0, d1) -> (0, 0)>
#map1 = affine_map<(d0, d1) -> (0)>
module attributes {stable_mosaic.version = 14 : i64} {
  func.func @emb(%arg0: i32, %arg1: i32, %arg2: memref<32000x4096xf32, #tpu.memory_space<hbm>>, %arg3: memref<16384xi32, #tpu.memory_space<hbm>>, %arg4: memref<16384x4096xf32, #tpu.memory_space<hbm>>, %arg5: memref<512xi32, #tpu.memory_space<vmem>>, %arg6: memref<3x8x4096xf32, #tpu.memory_space<vmem>>, %arg7: memref<!tpu.dma_semaphore, #tpu.memory_space<semaphore_mem>>, %arg8: memref<!tpu.dma_semaphore, #tpu.memory_space<semaphore_mem>>, %arg9: memref<!tpu.dma_semaphore, #tpu.memory_space<semaphore_mem>>, %arg10: memref<!tpu.dma_semaphore, #tpu.memory_space<semaphore_mem>>, %arg11: memref<!tpu.dma_semaphore, #tpu.memory_space<semaphore_mem>>, %arg12: memref<!tpu.dma_semaphore, #tpu.memory_space<semaphore_mem>>) attributes {dimension_semantics = [#tpu.dimension_semantics<core_parallel>, #tpu.dimension_semantics<subcore_parallel>], iteration_bounds = array<i64: 2, 16>, scalar_prefetch = 0 : i64, scratch_operands = 8 : i64, tpu.core_type = #tpu.core_type<sc_vector_subcore>, window_params = [{transform_indices = #map}, {transform_indices = #map1}, {transform_indices = #map}]} {
    %mul3A = arith.constant 2 : i32
    %mul3A_0 = arith.muli %arg1, %mul3A : i32
    %add3A = arith.addi %mul3A_0, %arg0 : i32
    %mul3A_1 = arith.constant 512 : i32
    %mul3A_2 = arith.muli %add3A, %mul3A_1 : i32
    "tpu.region"() ({
      %run_scoped3A = tpu.sem_alloc : memref<!tpu.dma_semaphore, #tpu.memory_space<semaphore_mem>>
      %dma_start3A_185 = tpu.memref_slice %arg3[%mul3A_2] : memref<16384xi32, #tpu.memory_space<hbm>> -> memref<512xi32, #tpu.memory_space<hbm>>
      %dma_start3A_186 = tpu.memref_slice %arg3[%mul3A_2] : memref<16384xi32, #tpu.memory_space<hbm>> -> memref<512xi32, #tpu.memory_space<hbm>>
      tpu.enqueue_dma source(%dma_start3A_186 : memref<512xi32, #tpu.memory_space<hbm>>) target(%arg5 : memref<512xi32, #tpu.memory_space<vmem>>) target_semaphore(%run_scoped3A : memref<!tpu.dma_semaphore, #tpu.memory_space<semaphore_mem>>)
      %dma_wait3A_187 = tpu.memref_slice %arg3[%mul3A_2] : memref<16384xi32, #tpu.memory_space<hbm>> -> memref<512xi32, #tpu.memory_space<hbm>>
      %dma_wait3A_188 = tpu.memref_slice %arg3[%mul3A_2] : memref<16384xi32, #tpu.memory_space<hbm>> -> memref<512xi32, #tpu.memory_space<hbm>>
      tpu.wait_dma2 semaphore(%run_scoped3A : memref<!tpu.dma_semaphore, #tpu.memory_space<semaphore_mem>>) src(%dma_wait3A_188 : memref<512xi32, #tpu.memory_space<hbm>>) dst(%arg5 : memref<512xi32, #tpu.memory_space<vmem>>)
      tpu.yield
    }) : () -> ()
    %dma_start3A = arith.constant 0 : i32
    %dma_start3A_3 = arith.constant 0 : i32
    %dma_start3A_4 = arith.constant 0 : i32
    %dma_start3A_5 = tpu.memref_slice %arg6[%dma_start3A, %dma_start3A_3, %dma_start3A_4] : memref<3x8x4096xf32, #tpu.memory_space<vmem>> -> memref<1x8x4096xf32, #tpu.memory_space<vmem>>
    %dma_start3A_6 = tpu.memref_squeeze %dma_start3A_5 : memref<1x8x4096xf32, #tpu.memory_space<vmem>> -> memref<8x4096xf32, #tpu.memory_space<vmem>>
    %dma_start3A_7 = arith.constant 0 : i32
    %dma_start3A_8 = tpu.memref_slice %arg5[%dma_start3A_7] : memref<512xi32, #tpu.memory_space<vmem>> -> memref<8xi32, #tpu.memory_space<vmem>>
    %dma_start3A_9 = arith.constant 0 : i32
    %dma_start3A_10 = arith.constant 0 : i32
    %dma_start3A_11 = tpu.memref_slice %arg2[%dma_start3A_9, %dma_start3A_10] : memref<32000x4096xf32, #tpu.memory_space<hbm>> -> memref<32000x4096xf32, #tpu.memory_space<hbm>>
    tpu.enqueue_indirect_dma source(%dma_start3A_11 : memref<32000x4096xf32, #tpu.memory_space<hbm>>) target(%dma_start3A_6 : memref<8x4096xf32, #tpu.memory_space<vmem>>) offsets(%dma_start3A_8 : memref<8xi32, #tpu.memory_space<vmem>>) semaphore(%arg7 : memref<!tpu.dma_semaphore, #tpu.memory_space<semaphore_mem>>)
    %dma_start3A_12 = arith.constant 1 : i32
    %dma_start3A_13 = arith.constant 0 : i32
    %dma_start3A_14 = arith.constant 0 : i32
    %dma_start3A_15 = tpu.memref_slice %arg6[%dma_start3A_12, %dma_start3A_13, %dma_start3A_14] : memref<3x8x4096xf32, #tpu.memory_space<vmem>> -> memref<1x8x4096xf32, #tpu.memory_space<vmem>>
    %dma_start3A_16 = tpu.memref_squeeze %dma_start3A_15 : memref<1x8x4096xf32, #tpu.memory_space<vmem>> -> memref<8x4096xf32, #tpu.memory_space<vmem>>
    %dma_start3A_17 = arith.constant 8 : i32
    %dma_start3A_18 = tpu.memref_slice %arg5[%dma_start3A_17] : memref<512xi32, #tpu.memory_space<vmem>> -> memref<8xi32, #tpu.memory_space<vmem>>
    %dma_start3A_19 = arith.constant 0 : i32
    %dma_start3A_20 = arith.constant 0 : i32
    %dma_start3A_21 = tpu.memref_slice %arg2[%dma_start3A_19, %dma_start3A_20] : memref<32000x4096xf32, #tpu.memory_space<hbm>> -> memref<32000x4096xf32, #tpu.memory_space<hbm>>
    tpu.enqueue_indirect_dma source(%dma_start3A_21 : memref<32000x4096xf32, #tpu.memory_space<hbm>>) target(%dma_start3A_16 : memref<8x4096xf32, #tpu.memory_space<vmem>>) offsets(%dma_start3A_18 : memref<8xi32, #tpu.memory_space<vmem>>) semaphore(%arg8 : memref<!tpu.dma_semaphore, #tpu.memory_space<semaphore_mem>>)
    %dma_start3A_22 = arith.constant 2 : i32
    %dma_start3A_23 = arith.constant 0 : i32
    %dma_start3A_24 = arith.constant 0 : i32
    %dma_start3A_25 = tpu.memref_slice %arg6[%dma_start3A_22, %dma_start3A_23, %dma_start3A_24] : memref<3x8x4096xf32, #tpu.memory_space<vmem>> -> memref<1x8x4096xf32, #tpu.memory_space<vmem>>
    %dma_start3A_26 = tpu.memref_squeeze %dma_start3A_25 : memref<1x8x4096xf32, #tpu.memory_space<vmem>> -> memref<8x4096xf32, #tpu.memory_space<vmem>>
    %dma_start3A_27 = arith.constant 16 : i32
    %dma_start3A_28 = tpu.memref_slice %arg5[%dma_start3A_27] : memref<512xi32, #tpu.memory_space<vmem>> -> memref<8xi32, #tpu.memory_space<vmem>>
    %dma_start3A_29 = arith.constant 0 : i32
    %dma_start3A_30 = arith.constant 0 : i32
    %dma_start3A_31 = tpu.memref_slice %arg2[%dma_start3A_29, %dma_start3A_30] : memref<32000x4096xf32, #tpu.memory_space<hbm>> -> memref<32000x4096xf32, #tpu.memory_space<hbm>>
    tpu.enqueue_indirect_dma source(%dma_start3A_31 : memref<32000x4096xf32, #tpu.memory_space<hbm>>) target(%dma_start3A_26 : memref<8x4096xf32, #tpu.memory_space<vmem>>) offsets(%dma_start3A_28 : memref<8xi32, #tpu.memory_space<vmem>>) semaphore(%arg9 : memref<!tpu.dma_semaphore, #tpu.memory_space<semaphore_mem>>)
    %dma_wait3A = arith.constant 0 : i32
    %dma_wait3A_32 = arith.constant 0 : i32
    %dma_wait3A_33 = arith.constant 0 : i32
    %dma_wait3A_34 = tpu.memref_slice %arg6[%dma_wait3A, %dma_wait3A_32, %dma_wait3A_33] : memref<3x8x4096xf32, #tpu.memory_space<vmem>> -> memref<1x8x4096xf32, #tpu.memory_space<vmem>>
    %dma_wait3A_35 = tpu.memref_squeeze %dma_wait3A_34 : memref<1x8x4096xf32, #tpu.memory_space<vmem>> -> memref<8x4096xf32, #tpu.memory_space<vmem>>
    %dma_wait3A_36 = arith.constant 0 : i32
    %dma_wait3A_37 = tpu.memref_slice %arg5[%dma_wait3A_36] : memref<512xi32, #tpu.memory_space<vmem>> -> memref<8xi32, #tpu.memory_space<vmem>>
    %dma_wait3A_38 = arith.constant 0 : i32
    %dma_wait3A_39 = arith.constant 0 : i32
    %dma_wait3A_40 = tpu.memref_slice %arg2[%dma_wait3A_38, %dma_wait3A_39] : memref<32000x4096xf32, #tpu.memory_space<hbm>> -> memref<32000x4096xf32, #tpu.memory_space<hbm>>
    tpu.wait_indirect_dma semaphore(%arg7 : memref<!tpu.dma_semaphore, #tpu.memory_space<semaphore_mem>>) src(%dma_wait3A_40 : memref<32000x4096xf32, #tpu.memory_space<hbm>>) dst(%dma_wait3A_35 : memref<8x4096xf32, #tpu.memory_space<vmem>>)
    %add3A_41 = arith.constant 0 : i32
    %add3A_42 = arith.addi %mul3A_2, %add3A_41 : i32
    %dma_start3A_43 = arith.constant 0 : i32
    %dma_start3A_44 = arith.constant 0 : i32
    %dma_start3A_45 = arith.constant 0 : i32
    %dma_start3A_46 = tpu.memref_slice %arg6[%dma_start3A_43, %dma_start3A_44, %dma_start3A_45] : memref<3x8x4096xf32, #tpu.memory_space<vmem>> -> memref<1x8x4096xf32, #tpu.memory_space<vmem>>
    %dma_start3A_47 = tpu.memref_squeeze %dma_start3A_46 : memref<1x8x4096xf32, #tpu.memory_space<vmem>> -> memref<8x4096xf32, #tpu.memory_space<vmem>>
    %dma_start3A_48 = arith.constant 0 : i32
    %dma_start3A_49 = tpu.memref_slice %arg4[%add3A_42, %dma_start3A_48] : memref<16384x4096xf32, #tpu.memory_space<hbm>> -> memref<8x4096xf32, #tpu.memory_space<hbm>>
    %dma_start3A_50 = arith.constant 0 : i32
    %dma_start3A_51 = tpu.memref_slice %arg4[%add3A_42, %dma_start3A_50] : memref<16384x4096xf32, #tpu.memory_space<hbm>> -> memref<8x4096xf32, #tpu.memory_space<hbm>>
    %dma_start3A_52 = arith.constant 0 : i32
    %dma_start3A_53 = arith.constant 0 : i32
    %dma_start3A_54 = tpu.memref_slice %arg6[%dma_start3A_43, %dma_start3A_52, %dma_start3A_53] : memref<3x8x4096xf32, #tpu.memory_space<vmem>> -> memref<1x8x4096xf32, #tpu.memory_space<vmem>>
    %dma_start3A_55 = tpu.memref_squeeze %dma_start3A_54 : memref<1x8x4096xf32, #tpu.memory_space<vmem>> -> memref<8x4096xf32, #tpu.memory_space<vmem>>
    tpu.enqueue_dma source(%dma_start3A_55 : memref<8x4096xf32, #tpu.memory_space<vmem>>) target(%dma_start3A_51 : memref<8x4096xf32, #tpu.memory_space<hbm>>) target_semaphore(%arg10 : memref<!tpu.dma_semaphore, #tpu.memory_space<semaphore_mem>>)
    %dma_wait3A_56 = arith.constant 1 : i32
    %dma_wait3A_57 = arith.constant 0 : i32
    %dma_wait3A_58 = arith.constant 0 : i32
    %dma_wait3A_59 = tpu.memref_slice %arg6[%dma_wait3A_56, %dma_wait3A_57, %dma_wait3A_58] : memref<3x8x4096xf32, #tpu.memory_space<vmem>> -> memref<1x8x4096xf32, #tpu.memory_space<vmem>>
    %dma_wait3A_60 = tpu.memref_squeeze %dma_wait3A_59 : memref<1x8x4096xf32, #tpu.memory_space<vmem>> -> memref<8x4096xf32, #tpu.memory_space<vmem>>
    %dma_wait3A_61 = arith.constant 8 : i32
    %dma_wait3A_62 = tpu.memref_slice %arg5[%dma_wait3A_61] : memref<512xi32, #tpu.memory_space<vmem>> -> memref<8xi32, #tpu.memory_space<vmem>>
    %dma_wait3A_63 = arith.constant 0 : i32
    %dma_wait3A_64 = arith.constant 0 : i32
    %dma_wait3A_65 = tpu.memref_slice %arg2[%dma_wait3A_63, %dma_wait3A_64] : memref<32000x4096xf32, #tpu.memory_space<hbm>> -> memref<32000x4096xf32, #tpu.memory_space<hbm>>
    tpu.wait_indirect_dma semaphore(%arg8 : memref<!tpu.dma_semaphore, #tpu.memory_space<semaphore_mem>>) src(%dma_wait3A_65 : memref<32000x4096xf32, #tpu.memory_space<hbm>>) dst(%dma_wait3A_60 : memref<8x4096xf32, #tpu.memory_space<vmem>>)
    %add3A_66 = arith.constant 8 : i32
    %add3A_67 = arith.addi %mul3A_2, %add3A_66 : i32
    %dma_start3A_68 = arith.constant 1 : i32
    %dma_start3A_69 = arith.constant 0 : i32
    %dma_start3A_70 = arith.constant 0 : i32
    %dma_start3A_71 = tpu.memref_slice %arg6[%dma_start3A_68, %dma_start3A_69, %dma_start3A_70] : memref<3x8x4096xf32, #tpu.memory_space<vmem>> -> memref<1x8x4096xf32, #tpu.memory_space<vmem>>
    %dma_start3A_72 = tpu.memref_squeeze %dma_start3A_71 : memref<1x8x4096xf32, #tpu.memory_space<vmem>> -> memref<8x4096xf32, #tpu.memory_space<vmem>>
    %dma_start3A_73 = arith.constant 0 : i32
    %dma_start3A_74 = tpu.memref_slice %arg4[%add3A_67, %dma_start3A_73] : memref<16384x4096xf32, #tpu.memory_space<hbm>> -> memref<8x4096xf32, #tpu.memory_space<hbm>>
    %dma_start3A_75 = arith.constant 0 : i32
    %dma_start3A_76 = tpu.memref_slice %arg4[%add3A_67, %dma_start3A_75] : memref<16384x4096xf32, #tpu.memory_space<hbm>> -> memref<8x4096xf32, #tpu.memory_space<hbm>>
    %dma_start3A_77 = arith.constant 0 : i32
    %dma_start3A_78 = arith.constant 0 : i32
    %dma_start3A_79 = tpu.memref_slice %arg6[%dma_start3A_68, %dma_start3A_77, %dma_start3A_78] : memref<3x8x4096xf32, #tpu.memory_space<vmem>> -> memref<1x8x4096xf32, #tpu.memory_space<vmem>>
    %dma_start3A_80 = tpu.memref_squeeze %dma_start3A_79 : memref<1x8x4096xf32, #tpu.memory_space<vmem>> -> memref<8x4096xf32, #tpu.memory_space<vmem>>
    tpu.enqueue_dma source(%dma_start3A_80 : memref<8x4096xf32, #tpu.memory_space<vmem>>) target(%dma_start3A_76 : memref<8x4096xf32, #tpu.memory_space<hbm>>) target_semaphore(%arg11 : memref<!tpu.dma_semaphore, #tpu.memory_space<semaphore_mem>>)
    %dma_wait3A_81 = arith.constant 2 : i32
    %dma_wait3A_82 = arith.constant 0 : i32
    %dma_wait3A_83 = arith.constant 0 : i32
    %dma_wait3A_84 = tpu.memref_slice %arg6[%dma_wait3A_81, %dma_wait3A_82, %dma_wait3A_83] : memref<3x8x4096xf32, #tpu.memory_space<vmem>> -> memref<1x8x4096xf32, #tpu.memory_space<vmem>>
    %dma_wait3A_85 = tpu.memref_squeeze %dma_wait3A_84 : memref<1x8x4096xf32, #tpu.memory_space<vmem>> -> memref<8x4096xf32, #tpu.memory_space<vmem>>
    %dma_wait3A_86 = arith.constant 16 : i32
    %dma_wait3A_87 = tpu.memref_slice %arg5[%dma_wait3A_86] : memref<512xi32, #tpu.memory_space<vmem>> -> memref<8xi32, #tpu.memory_space<vmem>>
    %dma_wait3A_88 = arith.constant 0 : i32
    %dma_wait3A_89 = arith.constant 0 : i32
    %dma_wait3A_90 = tpu.memref_slice %arg2[%dma_wait3A_88, %dma_wait3A_89] : memref<32000x4096xf32, #tpu.memory_space<hbm>> -> memref<32000x4096xf32, #tpu.memory_space<hbm>>
    tpu.wait_indirect_dma semaphore(%arg9 : memref<!tpu.dma_semaphore, #tpu.memory_space<semaphore_mem>>) src(%dma_wait3A_90 : memref<32000x4096xf32, #tpu.memory_space<hbm>>) dst(%dma_wait3A_85 : memref<8x4096xf32, #tpu.memory_space<vmem>>)
    %add3A_91 = arith.constant 16 : i32
    %add3A_92 = arith.addi %mul3A_2, %add3A_91 : i32
    %dma_start3A_93 = arith.constant 2 : i32
    %dma_start3A_94 = arith.constant 0 : i32
    %dma_start3A_95 = arith.constant 0 : i32
    %dma_start3A_96 = tpu.memref_slice %arg6[%dma_start3A_93, %dma_start3A_94, %dma_start3A_95] : memref<3x8x4096xf32, #tpu.memory_space<vmem>> -> memref<1x8x4096xf32, #tpu.memory_space<vmem>>
    %dma_start3A_97 = tpu.memref_squeeze %dma_start3A_96 : memref<1x8x4096xf32, #tpu.memory_space<vmem>> -> memref<8x4096xf32, #tpu.memory_space<vmem>>
    %dma_start3A_98 = arith.constant 0 : i32
    %dma_start3A_99 = tpu.memref_slice %arg4[%add3A_92, %dma_start3A_98] : memref<16384x4096xf32, #tpu.memory_space<hbm>> -> memref<8x4096xf32, #tpu.memory_space<hbm>>
    %dma_start3A_100 = arith.constant 0 : i32
    %dma_start3A_101 = tpu.memref_slice %arg4[%add3A_92, %dma_start3A_100] : memref<16384x4096xf32, #tpu.memory_space<hbm>> -> memref<8x4096xf32, #tpu.memory_space<hbm>>
    %dma_start3A_102 = arith.constant 0 : i32
    %dma_start3A_103 = arith.constant 0 : i32
    %dma_start3A_104 = tpu.memref_slice %arg6[%dma_start3A_93, %dma_start3A_102, %dma_start3A_103] : memref<3x8x4096xf32, #tpu.memory_space<vmem>> -> memref<1x8x4096xf32, #tpu.memory_space<vmem>>
    %dma_start3A_105 = tpu.memref_squeeze %dma_start3A_104 : memref<1x8x4096xf32, #tpu.memory_space<vmem>> -> memref<8x4096xf32, #tpu.memory_space<vmem>>
    tpu.enqueue_dma source(%dma_start3A_105 : memref<8x4096xf32, #tpu.memory_space<vmem>>) target(%dma_start3A_101 : memref<8x4096xf32, #tpu.memory_space<hbm>>) target_semaphore(%arg12 : memref<!tpu.dma_semaphore, #tpu.memory_space<semaphore_mem>>)
    %scan3A = arith.constant 0 : i32
    %scan3A_106 = arith.constant 20 : i32
    %scan3A_107 = arith.addi %scan3A, %scan3A_106 : i32
    %scan3A_108 = arith.constant 1 : i32
    scf.for %scan3A_185 = %scan3A to %scan3A_107 step %scan3A_108  : i32 {
      %mul3A_186 = arith.constant 3 : i32
      %mul3A_187 = arith.muli %scan3A_185, %mul3A_186 : i32
      %add3A_188 = arith.constant 0 : i32
      %add3A_189 = arith.addi %add3A_188, %mul3A_187 : i32
      %add3A_190 = arith.constant 0 : i32
      %add3A_191 = arith.addi %add3A_189, %add3A_190 : i32
      %mul3A_192 = arith.constant 8 : i32
      %mul3A_193 = arith.muli %add3A_191, %mul3A_192 : i32
      %add3A_194 = arith.addi %mul3A_2, %mul3A_193 : i32
      %dma_wait3A_195 = arith.constant 0 : i32
      %dma_wait3A_196 = arith.constant 0 : i32
      %dma_wait3A_197 = arith.constant 0 : i32
      %dma_wait3A_198 = tpu.memref_slice %arg6[%dma_wait3A_195, %dma_wait3A_196, %dma_wait3A_197] : memref<3x8x4096xf32, #tpu.memory_space<vmem>> -> memref<1x8x4096xf32, #tpu.memory_space<vmem>>
      %dma_wait3A_199 = tpu.memref_squeeze %dma_wait3A_198 : memref<1x8x4096xf32, #tpu.memory_space<vmem>> -> memref<8x4096xf32, #tpu.memory_space<vmem>>
      %dma_wait3A_200 = arith.constant 0 : i32
      %dma_wait3A_201 = tpu.memref_slice %arg4[%add3A_194, %dma_wait3A_200] : memref<16384x4096xf32, #tpu.memory_space<hbm>> -> memref<8x4096xf32, #tpu.memory_space<hbm>>
      %dma_wait3A_202 = arith.constant 0 : i32
      %dma_wait3A_203 = tpu.memref_slice %arg4[%add3A_194, %dma_wait3A_202] : memref<16384x4096xf32, #tpu.memory_space<hbm>> -> memref<8x4096xf32, #tpu.memory_space<hbm>>
      %dma_wait3A_204 = arith.constant 0 : i32
      %dma_wait3A_205 = arith.constant 0 : i32
      %dma_wait3A_206 = tpu.memref_slice %arg6[%dma_wait3A_195, %dma_wait3A_204, %dma_wait3A_205] : memref<3x8x4096xf32, #tpu.memory_space<vmem>> -> memref<1x8x4096xf32, #tpu.memory_space<vmem>>
      %dma_wait3A_207 = tpu.memref_squeeze %dma_wait3A_206 : memref<1x8x4096xf32, #tpu.memory_space<vmem>> -> memref<8x4096xf32, #tpu.memory_space<vmem>>
      tpu.wait_dma2 semaphore(%arg10 : memref<!tpu.dma_semaphore, #tpu.memory_space<semaphore_mem>>) src(%dma_wait3A_207 : memref<8x4096xf32, #tpu.memory_space<vmem>>) dst(%dma_wait3A_203 : memref<8x4096xf32, #tpu.memory_space<hbm>>)
      %add3A_208 = arith.constant 3 : i32
      %add3A_209 = arith.addi %add3A_191, %add3A_208 : i32
      %mul3A_210 = arith.constant 8 : i32
      %mul3A_211 = arith.muli %add3A_209, %mul3A_210 : i32
      %add3A_212 = arith.addi %mul3A_2, %mul3A_211 : i32
      %dma_start3A_213 = arith.constant 0 : i32
      %dma_start3A_214 = arith.constant 0 : i32
      %dma_start3A_215 = arith.constant 0 : i32
      %dma_start3A_216 = tpu.memref_slice %arg6[%dma_start3A_213, %dma_start3A_214, %dma_start3A_215] : memref<3x8x4096xf32, #tpu.memory_space<vmem>> -> memref<1x8x4096xf32, #tpu.memory_space<vmem>>
      %dma_start3A_217 = tpu.memref_squeeze %dma_start3A_216 : memref<1x8x4096xf32, #tpu.memory_space<vmem>> -> memref<8x4096xf32, #tpu.memory_space<vmem>>
      %dma_start3A_218 = arith.constant 0 : i32
      %dma_start3A_219 = tpu.memref_slice %arg4[%add3A_212, %dma_start3A_218] : memref<16384x4096xf32, #tpu.memory_space<hbm>> -> memref<8x4096xf32, #tpu.memory_space<hbm>>
      %dma_start3A_220 = arith.constant 0 : i32
      %dma_start3A_221 = tpu.memref_slice %arg4[%add3A_212, %dma_start3A_220] : memref<16384x4096xf32, #tpu.memory_space<hbm>> -> memref<8x4096xf32, #tpu.memory_space<hbm>>
      %dma_start3A_222 = arith.constant 0 : i32
      %dma_start3A_223 = arith.constant 0 : i32
      %dma_start3A_224 = tpu.memref_slice %arg6[%dma_start3A_213, %dma_start3A_222, %dma_start3A_223] : memref<3x8x4096xf32, #tpu.memory_space<vmem>> -> memref<1x8x4096xf32, #tpu.memory_space<vmem>>
      %dma_start3A_225 = tpu.memref_squeeze %dma_start3A_224 : memref<1x8x4096xf32, #tpu.memory_space<vmem>> -> memref<8x4096xf32, #tpu.memory_space<vmem>>
      tpu.enqueue_dma source(%dma_start3A_225 : memref<8x4096xf32, #tpu.memory_space<vmem>>) target(%dma_start3A_221 : memref<8x4096xf32, #tpu.memory_space<hbm>>) target_semaphore(%arg10 : memref<!tpu.dma_semaphore, #tpu.memory_space<semaphore_mem>>)
      %add3A_226 = arith.constant 1 : i32
      %add3A_227 = arith.addi %add3A_189, %add3A_226 : i32
      %mul3A_228 = arith.constant 8 : i32
      %mul3A_229 = arith.muli %add3A_227, %mul3A_228 : i32
      %add3A_230 = arith.addi %mul3A_2, %mul3A_229 : i32
      %dma_wait3A_231 = arith.constant 1 : i32
      %dma_wait3A_232 = arith.constant 0 : i32
      %dma_wait3A_233 = arith.constant 0 : i32
      %dma_wait3A_234 = tpu.memref_slice %arg6[%dma_wait3A_231, %dma_wait3A_232, %dma_wait3A_233] : memref<3x8x4096xf32, #tpu.memory_space<vmem>> -> memref<1x8x4096xf32, #tpu.memory_space<vmem>>
      %dma_wait3A_235 = tpu.memref_squeeze %dma_wait3A_234 : memref<1x8x4096xf32, #tpu.memory_space<vmem>> -> memref<8x4096xf32, #tpu.memory_space<vmem>>
      %dma_wait3A_236 = arith.constant 0 : i32
      %dma_wait3A_237 = tpu.memref_slice %arg4[%add3A_230, %dma_wait3A_236] : memref<16384x4096xf32, #tpu.memory_space<hbm>> -> memref<8x4096xf32, #tpu.memory_space<hbm>>
      %dma_wait3A_238 = arith.constant 0 : i32
      %dma_wait3A_239 = tpu.memref_slice %arg4[%add3A_230, %dma_wait3A_238] : memref<16384x4096xf32, #tpu.memory_space<hbm>> -> memref<8x4096xf32, #tpu.memory_space<hbm>>
      %dma_wait3A_240 = arith.constant 0 : i32
      %dma_wait3A_241 = arith.constant 0 : i32
      %dma_wait3A_242 = tpu.memref_slice %arg6[%dma_wait3A_231, %dma_wait3A_240, %dma_wait3A_241] : memref<3x8x4096xf32, #tpu.memory_space<vmem>> -> memref<1x8x4096xf32, #tpu.memory_space<vmem>>
      %dma_wait3A_243 = tpu.memref_squeeze %dma_wait3A_242 : memref<1x8x4096xf32, #tpu.memory_space<vmem>> -> memref<8x4096xf32, #tpu.memory_space<vmem>>
      tpu.wait_dma2 semaphore(%arg11 : memref<!tpu.dma_semaphore, #tpu.memory_space<semaphore_mem>>) src(%dma_wait3A_243 : memref<8x4096xf32, #tpu.memory_space<vmem>>) dst(%dma_wait3A_239 : memref<8x4096xf32, #tpu.memory_space<hbm>>)
      %add3A_244 = arith.constant 3 : i32
      %add3A_245 = arith.addi %add3A_227, %add3A_244 : i32
      %mul3A_246 = arith.constant 8 : i32
      %mul3A_247 = arith.muli %add3A_245, %mul3A_246 : i32
      %add3A_248 = arith.addi %mul3A_2, %mul3A_247 : i32
      %dma_start3A_249 = arith.constant 1 : i32
      %dma_start3A_250 = arith.constant 0 : i32
      %dma_start3A_251 = arith.constant 0 : i32
      %dma_start3A_252 = tpu.memref_slice %arg6[%dma_start3A_249, %dma_start3A_250, %dma_start3A_251] : memref<3x8x4096xf32, #tpu.memory_space<vmem>> -> memref<1x8x4096xf32, #tpu.memory_space<vmem>>
      %dma_start3A_253 = tpu.memref_squeeze %dma_start3A_252 : memref<1x8x4096xf32, #tpu.memory_space<vmem>> -> memref<8x4096xf32, #tpu.memory_space<vmem>>
      %dma_start3A_254 = arith.constant 0 : i32
      %dma_start3A_255 = tpu.memref_slice %arg4[%add3A_248, %dma_start3A_254] : memref<16384x4096xf32, #tpu.memory_space<hbm>> -> memref<8x4096xf32, #tpu.memory_space<hbm>>
      %dma_start3A_256 = arith.constant 0 : i32
      %dma_start3A_257 = tpu.memref_slice %arg4[%add3A_248, %dma_start3A_256] : memref<16384x4096xf32, #tpu.memory_space<hbm>> -> memref<8x4096xf32, #tpu.memory_space<hbm>>
      %dma_start3A_258 = arith.constant 0 : i32
      %dma_start3A_259 = arith.constant 0 : i32
      %dma_start3A_260 = tpu.memref_slice %arg6[%dma_start3A_249, %dma_start3A_258, %dma_start3A_259] : memref<3x8x4096xf32, #tpu.memory_space<vmem>> -> memref<1x8x4096xf32, #tpu.memory_space<vmem>>
      %dma_start3A_261 = tpu.memref_squeeze %dma_start3A_260 : memref<1x8x4096xf32, #tpu.memory_space<vmem>> -> memref<8x4096xf32, #tpu.memory_space<vmem>>
      tpu.enqueue_dma source(%dma_start3A_261 : memref<8x4096xf32, #tpu.memory_space<vmem>>) target(%dma_start3A_257 : memref<8x4096xf32, #tpu.memory_space<hbm>>) target_semaphore(%arg11 : memref<!tpu.dma_semaphore, #tpu.memory_space<semaphore_mem>>)
      %add3A_262 = arith.constant 2 : i32
      %add3A_263 = arith.addi %add3A_189, %add3A_262 : i32
      %mul3A_264 = arith.constant 8 : i32
      %mul3A_265 = arith.muli %add3A_263, %mul3A_264 : i32
      %add3A_266 = arith.addi %mul3A_2, %mul3A_265 : i32
      %dma_wait3A_267 = arith.constant 2 : i32
      %dma_wait3A_268 = arith.constant 0 : i32
      %dma_wait3A_269 = arith.constant 0 : i32
      %dma_wait3A_270 = tpu.memref_slice %arg6[%dma_wait3A_267, %dma_wait3A_268, %dma_wait3A_269] : memref<3x8x4096xf32, #tpu.memory_space<vmem>> -> memref<1x8x4096xf32, #tpu.memory_space<vmem>>
      %dma_wait3A_271 = tpu.memref_squeeze %dma_wait3A_270 : memref<1x8x4096xf32, #tpu.memory_space<vmem>> -> memref<8x4096xf32, #tpu.memory_space<vmem>>
      %dma_wait3A_272 = arith.constant 0 : i32
      %dma_wait3A_273 = tpu.memref_slice %arg4[%add3A_266, %dma_wait3A_272] : memref<16384x4096xf32, #tpu.memory_space<hbm>> -> memref<8x4096xf32, #tpu.memory_space<hbm>>
      %dma_wait3A_274 = arith.constant 0 : i32
      %dma_wait3A_275 = tpu.memref_slice %arg4[%add3A_266, %dma_wait3A_274] : memref<16384x4096xf32, #tpu.memory_space<hbm>> -> memref<8x4096xf32, #tpu.memory_space<hbm>>
      %dma_wait3A_276 = arith.constant 0 : i32
      %dma_wait3A_277 = arith.constant 0 : i32
      %dma_wait3A_278 = tpu.memref_slice %arg6[%dma_wait3A_267, %dma_wait3A_276, %dma_wait3A_277] : memref<3x8x4096xf32, #tpu.memory_space<vmem>> -> memref<1x8x4096xf32, #tpu.memory_space<vmem>>
      %dma_wait3A_279 = tpu.memref_squeeze %dma_wait3A_278 : memref<1x8x4096xf32, #tpu.memory_space<vmem>> -> memref<8x4096xf32, #tpu.memory_space<vmem>>
      tpu.wait_dma2 semaphore(%arg12 : memref<!tpu.dma_semaphore, #tpu.memory_space<semaphore_mem>>) src(%dma_wait3A_279 : memref<8x4096xf32, #tpu.memory_space<vmem>>) dst(%dma_wait3A_275 : memref<8x4096xf32, #tpu.memory_space<hbm>>)
      %add3A_280 = arith.constant 3 : i32
      %add3A_281 = arith.addi %add3A_263, %add3A_280 : i32
      %mul3A_282 = arith.constant 8 : i32
      %mul3A_283 = arith.muli %add3A_281, %mul3A_282 : i32
      %add3A_284 = arith.addi %mul3A_2, %mul3A_283 : i32
      %dma_start3A_285 = arith.constant 2 : i32
      %dma_start3A_286 = arith.constant 0 : i32
      %dma_start3A_287 = arith.constant 0 : i32
      %dma_start3A_288 = tpu.memref_slice %arg6[%dma_start3A_285, %dma_start3A_286, %dma_start3A_287] : memref<3x8x4096xf32, #tpu.memory_space<vmem>> -> memref<1x8x4096xf32, #tpu.memory_space<vmem>>
      %dma_start3A_289 = tpu.memref_squeeze %dma_start3A_288 : memref<1x8x4096xf32, #tpu.memory_space<vmem>> -> memref<8x4096xf32, #tpu.memory_space<vmem>>
      %dma_start3A_290 = arith.constant 0 : i32
      %dma_start3A_291 = tpu.memref_slice %arg4[%add3A_284, %dma_start3A_290] : memref<16384x4096xf32, #tpu.memory_space<hbm>> -> memref<8x4096xf32, #tpu.memory_space<hbm>>
      %dma_start3A_292 = arith.constant 0 : i32
      %dma_start3A_293 = tpu.memref_slice %arg4[%add3A_284, %dma_start3A_292] : memref<16384x4096xf32, #tpu.memory_space<hbm>> -> memref<8x4096xf32, #tpu.memory_space<hbm>>
      %dma_start3A_294 = arith.constant 0 : i32
      %dma_start3A_295 = arith.constant 0 : i32
      %dma_start3A_296 = tpu.memref_slice %arg6[%dma_start3A_285, %dma_start3A_294, %dma_start3A_295] : memref<3x8x4096xf32, #tpu.memory_space<vmem>> -> memref<1x8x4096xf32, #tpu.memory_space<vmem>>
      %dma_start3A_297 = tpu.memref_squeeze %dma_start3A_296 : memref<1x8x4096xf32, #tpu.memory_space<vmem>> -> memref<8x4096xf32, #tpu.memory_space<vmem>>
      tpu.enqueue_dma source(%dma_start3A_297 : memref<8x4096xf32, #tpu.memory_space<vmem>>) target(%dma_start3A_293 : memref<8x4096xf32, #tpu.memory_space<hbm>>) target_semaphore(%arg12 : memref<!tpu.dma_semaphore, #tpu.memory_space<semaphore_mem>>)
    }
    %scan3A_109 = arith.constant 20 : i32
    %add3A_110 = arith.constant 480 : i32
    %add3A_111 = arith.addi %mul3A_2, %add3A_110 : i32
    %dma_wait3A_112 = arith.constant 0 : i32
    %dma_wait3A_113 = arith.constant 0 : i32
    %dma_wait3A_114 = arith.constant 0 : i32
    %dma_wait3A_115 = tpu.memref_slice %arg6[%dma_wait3A_112, %dma_wait3A_113, %dma_wait3A_114] : memref<3x8x4096xf32, #tpu.memory_space<vmem>> -> memref<1x8x4096xf32, #tpu.memory_space<vmem>>
    %dma_wait3A_116 = tpu.memref_squeeze %dma_wait3A_115 : memref<1x8x4096xf32, #tpu.memory_space<vmem>> -> memref<8x4096xf32, #tpu.memory_space<vmem>>
    %dma_wait3A_117 = arith.constant 0 : i32
    %dma_wait3A_118 = tpu.memref_slice %arg4[%add3A_111, %dma_wait3A_117] : memref<16384x4096xf32, #tpu.memory_space<hbm>> -> memref<8x4096xf32, #tpu.memory_space<hbm>>
    %dma_wait3A_119 = arith.constant 0 : i32
    %dma_wait3A_120 = tpu.memref_slice %arg4[%add3A_111, %dma_wait3A_119] : memref<16384x4096xf32, #tpu.memory_space<hbm>> -> memref<8x4096xf32, #tpu.memory_space<hbm>>
    %dma_wait3A_121 = arith.constant 0 : i32
    %dma_wait3A_122 = arith.constant 0 : i32
    %dma_wait3A_123 = tpu.memref_slice %arg6[%dma_wait3A_112, %dma_wait3A_121, %dma_wait3A_122] : memref<3x8x4096xf32, #tpu.memory_space<vmem>> -> memref<1x8x4096xf32, #tpu.memory_space<vmem>>
    %dma_wait3A_124 = tpu.memref_squeeze %dma_wait3A_123 : memref<1x8x4096xf32, #tpu.memory_space<vmem>> -> memref<8x4096xf32, #tpu.memory_space<vmem>>
    tpu.wait_dma2 semaphore(%arg10 : memref<!tpu.dma_semaphore, #tpu.memory_space<semaphore_mem>>) src(%dma_wait3A_124 : memref<8x4096xf32, #tpu.memory_space<vmem>>) dst(%dma_wait3A_120 : memref<8x4096xf32, #tpu.memory_space<hbm>>)
    %add3A_125 = arith.constant 504 : i32
    %add3A_126 = arith.addi %mul3A_2, %add3A_125 : i32
    %dma_start3A_127 = arith.constant 0 : i32
    %dma_start3A_128 = arith.constant 0 : i32
    %dma_start3A_129 = arith.constant 0 : i32
    %dma_start3A_130 = tpu.memref_slice %arg6[%dma_start3A_127, %dma_start3A_128, %dma_start3A_129] : memref<3x8x4096xf32, #tpu.memory_space<vmem>> -> memref<1x8x4096xf32, #tpu.memory_space<vmem>>
    %dma_start3A_131 = tpu.memref_squeeze %dma_start3A_130 : memref<1x8x4096xf32, #tpu.memory_space<vmem>> -> memref<8x4096xf32, #tpu.memory_space<vmem>>
    %dma_start3A_132 = arith.constant 0 : i32
    %dma_start3A_133 = tpu.memref_slice %arg4[%add3A_126, %dma_start3A_132] : memref<16384x4096xf32, #tpu.memory_space<hbm>> -> memref<8x4096xf32, #tpu.memory_space<hbm>>
    %dma_start3A_134 = arith.constant 0 : i32
    %dma_start3A_135 = tpu.memref_slice %arg4[%add3A_126, %dma_start3A_134] : memref<16384x4096xf32, #tpu.memory_space<hbm>> -> memref<8x4096xf32, #tpu.memory_space<hbm>>
    %dma_start3A_136 = arith.constant 0 : i32
    %dma_start3A_137 = arith.constant 0 : i32
    %dma_start3A_138 = tpu.memref_slice %arg6[%dma_start3A_127, %dma_start3A_136, %dma_start3A_137] : memref<3x8x4096xf32, #tpu.memory_space<vmem>> -> memref<1x8x4096xf32, #tpu.memory_space<vmem>>
    %dma_start3A_139 = tpu.memref_squeeze %dma_start3A_138 : memref<1x8x4096xf32, #tpu.memory_space<vmem>> -> memref<8x4096xf32, #tpu.memory_space<vmem>>
    tpu.enqueue_dma source(%dma_start3A_139 : memref<8x4096xf32, #tpu.memory_space<vmem>>) target(%dma_start3A_135 : memref<8x4096xf32, #tpu.memory_space<hbm>>) target_semaphore(%arg10 : memref<!tpu.dma_semaphore, #tpu.memory_space<semaphore_mem>>)
    %add3A_140 = arith.constant 488 : i32
    %add3A_141 = arith.addi %mul3A_2, %add3A_140 : i32
    %dma_wait3A_142 = arith.constant 1 : i32
    %dma_wait3A_143 = arith.constant 0 : i32
    %dma_wait3A_144 = arith.constant 0 : i32
    %dma_wait3A_145 = tpu.memref_slice %arg6[%dma_wait3A_142, %dma_wait3A_143, %dma_wait3A_144] : memref<3x8x4096xf32, #tpu.memory_space<vmem>> -> memref<1x8x4096xf32, #tpu.memory_space<vmem>>
    %dma_wait3A_146 = tpu.memref_squeeze %dma_wait3A_145 : memref<1x8x4096xf32, #tpu.memory_space<vmem>> -> memref<8x4096xf32, #tpu.memory_space<vmem>>
    %dma_wait3A_147 = arith.constant 0 : i32
    %dma_wait3A_148 = tpu.memref_slice %arg4[%add3A_141, %dma_wait3A_147] : memref<16384x4096xf32, #tpu.memory_space<hbm>> -> memref<8x4096xf32, #tpu.memory_space<hbm>>
    %dma_wait3A_149 = arith.constant 0 : i32
    %dma_wait3A_150 = tpu.memref_slice %arg4[%add3A_141, %dma_wait3A_149] : memref<16384x4096xf32, #tpu.memory_space<hbm>> -> memref<8x4096xf32, #tpu.memory_space<hbm>>
    %dma_wait3A_151 = arith.constant 0 : i32
    %dma_wait3A_152 = arith.constant 0 : i32
    %dma_wait3A_153 = tpu.memref_slice %arg6[%dma_wait3A_142, %dma_wait3A_151, %dma_wait3A_152] : memref<3x8x4096xf32, #tpu.memory_space<vmem>> -> memref<1x8x4096xf32, #tpu.memory_space<vmem>>
    %dma_wait3A_154 = tpu.memref_squeeze %dma_wait3A_153 : memref<1x8x4096xf32, #tpu.memory_space<vmem>> -> memref<8x4096xf32, #tpu.memory_space<vmem>>
    tpu.wait_dma2 semaphore(%arg11 : memref<!tpu.dma_semaphore, #tpu.memory_space<semaphore_mem>>) src(%dma_wait3A_154 : memref<8x4096xf32, #tpu.memory_space<vmem>>) dst(%dma_wait3A_150 : memref<8x4096xf32, #tpu.memory_space<hbm>>)
    %add3A_155 = arith.constant 496 : i32
    %add3A_156 = arith.addi %mul3A_2, %add3A_155 : i32
    %dma_wait3A_157 = arith.constant 2 : i32
    %dma_wait3A_158 = arith.constant 0 : i32
    %dma_wait3A_159 = arith.constant 0 : i32
    %dma_wait3A_160 = tpu.memref_slice %arg6[%dma_wait3A_157, %dma_wait3A_158, %dma_wait3A_159] : memref<3x8x4096xf32, #tpu.memory_space<vmem>> -> memref<1x8x4096xf32, #tpu.memory_space<vmem>>
    %dma_wait3A_161 = tpu.memref_squeeze %dma_wait3A_160 : memref<1x8x4096xf32, #tpu.memory_space<vmem>> -> memref<8x4096xf32, #tpu.memory_space<vmem>>
    %dma_wait3A_162 = arith.constant 0 : i32
    %dma_wait3A_163 = tpu.memref_slice %arg4[%add3A_156, %dma_wait3A_162] : memref<16384x4096xf32, #tpu.memory_space<hbm>> -> memref<8x4096xf32, #tpu.memory_space<hbm>>
    %dma_wait3A_164 = arith.constant 0 : i32
    %dma_wait3A_165 = tpu.memref_slice %arg4[%add3A_156, %dma_wait3A_164] : memref<16384x4096xf32, #tpu.memory_space<hbm>> -> memref<8x4096xf32, #tpu.memory_space<hbm>>
    %dma_wait3A_166 = arith.constant 0 : i32
    %dma_wait3A_167 = arith.constant 0 : i32
    %dma_wait3A_168 = tpu.memref_slice %arg6[%dma_wait3A_157, %dma_wait3A_166, %dma_wait3A_167] : memref<3x8x4096xf32, #tpu.memory_space<vmem>> -> memref<1x8x4096xf32, #tpu.memory_space<vmem>>
    %dma_wait3A_169 = tpu.memref_squeeze %dma_wait3A_168 : memref<1x8x4096xf32, #tpu.memory_space<vmem>> -> memref<8x4096xf32, #tpu.memory_space<vmem>>
    tpu.wait_dma2 semaphore(%arg12 : memref<!tpu.dma_semaphore, #tpu.memory_space<semaphore_mem>>) src(%dma_wait3A_169 : memref<8x4096xf32, #tpu.memory_space<vmem>>) dst(%dma_wait3A_165 : memref<8x4096xf32, #tpu.memory_space<hbm>>)
    %add3A_170 = arith.constant 504 : i32
    %add3A_171 = arith.addi %mul3A_2, %add3A_170 : i32
    %dma_wait3A_172 = arith.constant 0 : i32
    %dma_wait3A_173 = arith.constant 0 : i32
    %dma_wait3A_174 = arith.constant 0 : i32
    %dma_wait3A_175 = tpu.memref_slice %arg6[%dma_wait3A_172, %dma_wait3A_173, %dma_wait3A_174] : memref<3x8x4096xf32, #tpu.memory_space<vmem>> -> memref<1x8x4096xf32, #tpu.memory_space<vmem>>
    %dma_wait3A_176 = tpu.memref_squeeze %dma_wait3A_175 : memref<1x8x4096xf32, #tpu.memory_space<vmem>> -> memref<8x4096xf32, #tpu.memory_space<vmem>>
    %dma_wait3A_177 = arith.constant 0 : i32
    %dma_wait3A_178 = tpu.memref_slice %arg4[%add3A_171, %dma_wait3A_177] : memref<16384x4096xf32, #tpu.memory_space<hbm>> -> memref<8x4096xf32, #tpu.memory_space<hbm>>
    %dma_wait3A_179 = arith.constant 0 : i32
    %dma_wait3A_180 = tpu.memref_slice %arg4[%add3A_171, %dma_wait3A_179] : memref<16384x4096xf32, #tpu.memory_space<hbm>> -> memref<8x4096xf32, #tpu.memory_space<hbm>>
    %dma_wait3A_181 = arith.constant 0 : i32
    %dma_wait3A_182 = arith.constant 0 : i32
    %dma_wait3A_183 = tpu.memref_slice %arg6[%dma_wait3A_172, %dma_wait3A_181, %dma_wait3A_182] : memref<3x8x4096xf32, #tpu.memory_space<vmem>> -> memref<1x8x4096xf32, #tpu.memory_space<vmem>>
    %dma_wait3A_184 = tpu.memref_squeeze %dma_wait3A_183 : memref<1x8x4096xf32, #tpu.memory_space<vmem>> -> memref<8x4096xf32, #tpu.memory_space<vmem>>
    tpu.wait_dma2 semaphore(%arg10 : memref<!tpu.dma_semaphore, #tpu.memory_space<semaphore_mem>>) src(%dma_wait3A_184 : memref<8x4096xf32, #tpu.memory_space<vmem>>) dst(%dma_wait3A_180 : memref<8x4096xf32, #tpu.memory_space<hbm>>)
    return
  }
}

</mosaic_0001>

<sc_bundles>
// kernel: kernel.3.cloned.1.call-start
scs
__scs_entry_jumppad:
0x0: {  	(pc) =	sbr.rel $0x88, $3  }
0x1: {  	(tag) =	ssettag $0x0;
	lr =	simm.s32 $0x1  }
0x2: {  	[smem:$0x3F9F] =	sst lr;
	_ =	strace $0xD0000000  }
0x3: {  	_ = 	snop  }
0x4: {  	_ = 	snop  }
0x5: {  	_ = 	snop  }
0x6: {  	_ = 	snop  }
0x7: {  	_ = 	snop  }
__scs_overlays_trampoline_lowered:
0x8: {  	[smem:$0x3FAE] =	sst s0  }
0x9: {  	[smem:$0x3FAF] =	sst s1  }
0xa: {  	[smem:$0x3FB0] =	sst s2  }
0xb: {  	[smem:$0x3FB1] =	sst s3  }
0xc: {  	[smem:$0x3FB2] =	sst s4  }
0xd: {  	[smem:$0x3FB3] =	sst s5  }
0xe: {  	[smem:$0x3FB4] =	sst s6  }
0xf: {  	[smem:$0x3FB5] =	sst s7  }
0x10: {  	[smem:$0x3FB6] =	sst s8  }
0x11: {  	[smem:$0x3FB7] =	sst s9;
	s0 =	simm.s32 @!p0 $0x0  }
0x12: {  	s1 =	sld [smem:$0x3F9D];
	s0 =	simm.s32 @p0 $0x1  }
0x13: {  	[smem:$0x3FB8] =	sst s0;
	s0 =	simm.s32 @!p1 $0x0  }
0x14: {  	s2 =	sld [smem:$0x3F9C];
	s0 =	simm.s32 @p1 $0x1  }
0x15: {  	[smem:$0x3FB9] =	sst s0;
	s0 =	simm.s32 @!p2 $0x0  }
0x16: {  	s3 =	sld [smem:$0x3FDB];
	s0 =	simm.s32 @p2 $0x1  }
0x17: {  	s4 =	simm.s32 $0x1BF5;
	[smem:$0x3FBB] =	sst s0  }
0x18: {  	s0 =	sld [smem:$0x3F9E];
	_ =	swait.ge [sflag:s4], $0x0  }
0x19: {  	s7 =	sld [smem:$0x3F9F]  }
0x1a: {  	s8 =	sadd.s32 $0xFFFFE003, lr  }
0x1b: {  	s9 =	sadd.s32 $0xFFFFFEF7, lr;
	s5 =	simm.s32 $0xFFFFFFFF;
	p2 =	slt.u32 s8, $0xFFFFF086  }
0x1c: {  	p1 =	slt.u32 s9, $0xF7A;
	s5 =	simm.s32 @!p2 $0x0  }
0x1d: {  	s5 =	simm.s32 @p1 $0x1;
	p0 =	seq.s32 s7, s2  }
0x1e: {  	s7 =	smul.u32 @!p0 $0xF7A, s2;
	p2 =	seq.s32 @!p0 s5, $0x0  }
0x1f: {  	s9 =	smul.u32 $0xF7A, s1;
	s8 =	simm.s32 @!p0 $0x1BF5;
	p2 =	por !p2, p0  }
0x20: {  	[sflag:s8] =	ssyncset.s32 @!p0 $0xFFFFF086;
	s6 =	sadd.s32 @!p0 s3, s7;
	s7 =	simm.s32 @!p0 $0x108  }
0x21: {  	s3 =	sadd.s32 s3, s9;
	s6 =	sadd.s32 @!p0 $0x88, s6;
	s7 =	simm.s32 @p2 $0x1082  }
0x22: {  	[simem:s7], [sflag:s8] =	dma.local @!p0 [hbm:s6], $0xF7A  }
0x23: {  	s9 =	sor.u32 $0xD0000000, s2;
	s6 =	simm.s32 $0x108;
	_ =	swait.ge @!p0 [sflag:s8], $0x0  }
0x24: {  	s3 =	sadd.s32 $0x88, s3;
	s6 =	simm.s32 @!p1 $0x1082;
	[sflag:s4] =	ssyncset.s32 $0xFFFFF086  }
0x25: {  	[simem:s6], [sflag:s4] =	dma.local [hbm:s3], $0xF7A  }
0x26: {  	[smem:$0x3F9F] =	sst s1;
	(tag) =	ssettag s2;
	_ =	strace s9  }
0x27: {  	s1 =	sld [smem:$0x3FAF]  }
0x28: {  	s2 =	sld [smem:$0x3FB0]  }
0x29: {  	s4 =	sld [smem:$0x3FB2]  }
0x2a: {  	p0 =	seq.s32 s5, $0x0;
	s5 =	sld [smem:$0x3FB3]  }
0x2b: {  	s6 =	sld [smem:$0x3FB4]  }
0x2c: {  	s7 =	sld [smem:$0x3FB5]  }
0x2d: {  	s3 =	simm.s32 $0x108;
	s8 =	sld [smem:$0x3FB6]  }
0x2e: {  	s3 =	simm.s32 @!p0 $0x1082;
	s9 =	sld [smem:$0x3FB7]  }
0x2f: {  	lr =	sadd.s32 s0, s3;
	s0 =	sld [smem:$0x3FAE]  }
0x30: {  	s3 =	sld [smem:$0x3FB1]  }
0x31: {  	[smem:$0x3FBA] =	sst s10  }
0x32: {  	s10 =	sld [smem:$0x3FB8];
	_ =	sdelay $0x3  }
0x33: {  	p0 =	seq.s32 s10, $0x1;
	s10 =	sld [smem:$0x3FBA];
	_ =	sdelay $0x3  }
0x34: {  	[smem:$0x3FBA] =	sst s10  }
0x35: {  	s10 =	sld [smem:$0x3FB9];
	_ =	sdelay $0x3  }
0x36: {  	p1 =	seq.s32 s10, $0x1;
	s10 =	sld [smem:$0x3FBA];
	_ =	sdelay $0x3  }
0x37: {  	[smem:$0x3FBA] =	sst s10  }
0x38: {  	s10 =	sld [smem:$0x3FBB]  }
0x39: {  	_ = 	snop;
	(pc) =	sbr.ind lr, $3  }
0x3a: {  	_ = 	snop  }
0x3b: {  	_ = 	snop  }
0x3c: {  	p2 =	seq.s32 s10, $0x1;
	s10 =	sld [smem:$0x3FBA]  }
0x3d: {  	_ =	shalt  }
0x3e: {  	_ =	shalt  }
0x3f: {  	_ =	shalt  }
0x40: {  	_ =	shalt  }
0x41: {  	_ =	shalt  }
0x42: {  	_ =	shalt  }
0x43: {  	_ =	shalt  }
0x44: {  	_ =	shalt  }
0x45: {  	_ =	shalt  }
0x46: {  	_ =	shalt  }
0x47: {  	_ =	shalt  }
0x48: {  	_ =	shalt  }
0x49: {  	_ =	shalt  }
0x4a: {  	_ =	shalt  }
0x4b: {  	_ =	shalt  }
0x4c: {  	_ =	shalt  }
0x4d: {  	_ =	shalt  }
0x4e: {  	_ =	shalt  }
0x4f: {  	_ =	shalt  }
0x50: {  	_ =	shalt  }
0x51: {  	_ =	shalt  }
0x52: {  	_ =	shalt  }
0x53: {  	_ =	shalt  }
0x54: {  	_ =	shalt  }
0x55: {  	_ =	shalt  }
0x56: {  	_ =	shalt  }
0x57: {  	_ =	shalt  }
0x58: {  	_ =	shalt  }
0x59: {  	_ =	shalt  }
0x5a: {  	_ =	shalt  }
0x5b: {  	_ =	shalt  }
0x5c: {  	_ =	shalt  }
0x5d: {  	_ =	shalt  }
0x5e: {  	_ =	shalt  }
0x5f: {  	_ =	shalt  }
0x60: {  	_ =	shalt  }
0x61: {  	_ =	shalt  }
0x62: {  	_ =	shalt  }
0x63: {  	_ =	shalt  }
0x64: {  	_ =	shalt  }
0x65: {  	_ =	shalt  }
0x66: {  	_ =	shalt  }
0x67: {  	_ =	shalt  }
0x68: {  	_ =	shalt  }
0x69: {  	_ =	shalt  }
0x6a: {  	_ =	shalt  }
0x6b: {  	_ =	shalt  }
0x6c: {  	_ =	shalt  }
0x6d: {  	_ =	shalt  }
0x6e: {  	_ =	shalt  }
0x6f: {  	_ =	shalt  }
0x70: {  	_ =	shalt  }
0x71: {  	_ =	shalt  }
0x72: {  	_ =	shalt  }
0x73: {  	_ =	shalt  }
0x74: {  	_ =	shalt  }
0x75: {  	_ =	shalt  }
0x76: {  	_ =	shalt  }
0x77: {  	_ =	shalt  }
0x78: {  	_ =	shalt  }
0x79: {  	_ =	shalt  }
0x7a: {  	_ =	shalt  }
0x7b: {  	_ =	shalt  }
0x7c: {  	_ =	shalt  }
0x7d: {  	_ =	shalt  }
0x7e: {  	_ =	shalt  }
0x7f: {  	_ =	shalt  }
0x80: {  	_ =	shalt  }
0x81: {  	_ =	shalt  }
0x82: {  	_ =	shalt  }
0x83: {  	_ =	shalt  }
0x84: {  	_ =	shalt  }
0x85: {  	_ =	shalt  }
0x86: {  	_ =	shalt  }
0x87: {  	_ =	shalt  }
.Lfunc_end0:
.L_simem_size_0:
called_computation_lowered:
.L_overlay_start_0:
0x88: {  	s2 =	sld [smem:$0x3FD9]  }
0x89: {  	s3 =	sld [smem:$0x3FFE];
	_ =	sdelay $0x1  }
0x8a: {  	s1 =	srdreg.scid  }
0x8b: {  	s0 =	sand.u32 $0x1, s1  }
0x8c: {  	s17 =	sshll.u32 s0, $0xA;
	s2 =	sadd.s32 s3, s2  }
0x8d: {  	s2 =	sadd.s32 s2, s17  }
0x8e: {  	[smem:$0x3FC6] =	sst s2  }
0x8f: {  	_ = 	snop  }
0x90: {  	s2 =	sld [smem:$0x3FC8]  }
0x91: {  	s18 =	sld [smem:$0x3FD0];
	(tm) =	ssettm $0x1  }
0x92: {  	s4 =	sld [smem:$0x3FFB];
	_ =	sdelay $0x3  }
0x93: {  	_ =	strace s4  }
0x94: {  	s4 =	sld [smem:$0x3FFC];
	_ =	sdelay $0x3  }
0x95: {  	_ =	strace s4  }
0x96: {  	s4 =	sld [smem:$0x3FFD];
	_ =	sdelay $0x3  }
0x97: {  	_ =	strace s4  }
0x98: {  	_ =	strace $0x8FFFFFFF  }
0x99: {  	s19 =	sld [smem:$0x3FDB];
	_ =	sdelay $0x1  }
0x9a: {  	s5 =	simm.s32 $_scs_section_size  }
0x9b: {  	s6 =	simm.s32 $_size__tile_overlayer_lowered;
	s7 =	simm.s32 $_tile_overlayer_lowered  }
0x9c: {  	s22 =	simm.s32 $0x1BFF;
	s21 =	sshll.u32 s7, $0x1;
	s4 =	sadd.s32 s5, s19  }
0x9d: {  	s8 =	simm.s32 $0x0;
	s20 =	sshll.u32 s6, $0x1;
	s6 =	sadd.s32 s21, s4  }
0x9e: {  	[timem:s8], [sflag:s22] =	dma.local [hbm:s6], s20  }
0x9f: {  	_ =	swait.ge [sflag:s22], s20  }
0xa0: {  	s5 =	ssub.s32 $0x0, s20;
	[sflag:s22] =	ssyncset.done $0x0  }
0xa1: {  	[sflag:s22] =	ssyncadd.s32 s5;
	_ =	sdelay $0x1  }
0xa2: {  	s23 =	simm.s32 $0x1B8B  }
0xa3: {  	_ =	swait.ge [sflag:s23], $0x1  }
0xa4: {  	[sflag:s23] =	ssyncset.done $0x0  }
0xa5: {  	s25 =	simm.s32 $0x1B8E;
	s24 =	sld [smem:$0x3FFE];
	[sflag:s23] =	ssyncadd.s32 $0xFFFFFFFF  }
0xa6: {  	s26 =	simm.s32 $execute0_lowered;
	[smem:$0x3FD2] =	sst s25  }
0xa7: {  	s6 =	sshll.u32 s26, $0x1;
	_ =	strace $0x80000046;
	[dreg:$0x1] =	wrdreg $0xFFFFFFFF  }
0xa8: {  	s28 =	simm.s32 $_size_execute0_lowered;
	s4 =	sadd.s32 s4, s6;
	[dreg:$0x0] =	wrdreg $0x0  }
0xa9: {  	s6 =	sshll.u32 s28, $0x1;
	[dreg:$0x2] =	wrdreg s4  }
0xaa: {  	[dreg:$0x3] =	wrdreg s6  }
0xab: {  	[dreg:$0x4] =	wrdreg $0xC0  }
0xac: {  	_ =	task [dreg:s8], $0x5FFFF  }
0xad: {  	[dreg:$0x1] =	wrdreg $0xFFFFFFFF  }
0xae: {  	[dreg:$0x0] =	wrdreg $0x60  }
0xaf: {  	[dreg:$0x2] =	wrdreg s2  }
0xb0: {  	[dreg:$0x3] =	wrdreg s24  }
0xb1: {  	[dreg:$0x4] =	wrdreg s18  }
0xb2: {  	[dreg:$0x5] =	wrdreg $0x9  }
0xb3: {  	_ =	task.clear_ibuf [dreg:s8], $0x6FFFF;
	_ =	strace $0x90000046  }
0xb4: {  	s29 =	simm.s32 $0x9;
	_ =	strace $0x80000048  }
0xb5: {  	_ =	swait.ge [sflag:s29], $0x1  }
0xb6: {  	[sflag:s29] =	ssyncadd.s32 $0xFFFFFFFF  }
0xb7: {  	_ =	strace $0x90000048  }
0xb8: {  	_ =	sfence  }
0xb9: {  	s30 =	sld [smem:$0x0];
	_ =	sdelay $0x2  }
0xba: {  	s31 =	sshll.u32 s1, $0xD;
	s1 =	sshrl.u32 s1, $0x2  }
0xbb: {  	s3 =	sand.u32 $0x4000, s31;
	s1 =	sadd.s32 s1, s30  }
0xbc: {  	s0 =	sor.u32 s3, s0;
	s1 =	sshll.u32 s1, $0x11  }
0xbd: {  	s0 =	sor.u32 s1, s0  }
0xbe: {  	s0 =	sadd.s32 $0x8F2B, s0  }
0xbf: {  	[sflag:s0] =	ssyncadd.remote.s32 $0x1  }
0xc0: {  	_ =	sfence.sel $0xFFFF  }
0xc1: {  	[dreg:$0x0] =	wrdreg $0xFFFFFFFF;
	(pc) =	sbr.abs _section_cstart, $3  }
0xc2: {  	[dreg:$0x1] =	wrdreg $0xFFFFFFFF  }
0xc3: {  	_ =	task.clear_ibuf [dreg:s8], $0x2FFFF;
	_ =	strace $0x9FFFFFFF  }
0xc4: {  	(tm) =	ssettm $0x7FFFFFFF  }
0xc5: {  	_ =	shalt  }
tec
execute0_lowered:
.L_overlay_start_1:
0x0: {  	(tag) =	ssettag $0x1  }
0x1: {  	s21 =	rddreg [dreg:$0x0]  }
0x2: {  	s0 =	srdreg.scid;
	s2 =	rddreg [dreg:$0x1]  }
0x3: {  	s1 =	stileid.u32;
	s4 =	rddreg [dreg:$0x2];
	s28 =	simm.s32 $0x200  }
0x4: {  	s29 =	simm.s32 $0x8200;
	s30 =	simm.s32 $0x1;
	s31 =	simm.s32 $0x2  }
0x5: {  	s0 =	sand.u32 $0x1, s0;
	s3 =	sshll.u32 s1, $0xA;
	s7 =	sadd.s32 $0x300, s21  }
0x6: {  	s8 =	sadd.s32 $0x400, s21;
	s9 =	sadd.s32 $0x500, s21;
	s10 =	sadd.s32 $0x600, s21  }
0x7: {  	s11 =	sadd.s32 $0x700, s21;
	s12 =	sadd.s32 $0x800, s21;
	s13 =	sadd.s32 $0x900, s21  }
0x8: {  	s14 =	sadd.s32 $0xA00, s21;
	s15 =	sadd.s32 $0xB00, s21;
	s16 =	sadd.s32 $0xC00, s21  }
0x9: {  	s17 =	sadd.s32 $0xD00, s21;
	s18 =	sadd.s32 $0xE00, s21;
	s22 =	sshll.u32 s1, $0x13  }
0xa: {  	s5 =	sshll.u32 s0, $0x9;
	s6 =	ssub.s32 $0x2, s0;
	s0 =	sshll.u32 s0, $0x12  }
0xb: {  	s19 =	sor.u32 s5, s3;
	s3 =	simm.s32 $0x0;
	s24 =	sshrl.u32 s6, $0x1  }
0xc: {  	s5 =	sshrl.u32 s19, $0x3;
	[smem:$0x7FF] =	sst s3;
	s25 =	sshll.u32 s19, $0x9  }
0xd: {  	s20 =	ssub.s32 s6, s24;
	s2 =	sadd.s32 s5, s2;
	s26 =	sadd.s32 s4, s25  }
0xe: {  	_ =	strace $0x80000047;
	s2 =	sadd.s32 $0x400, s2;
	[dreg:$0x5] =	wrdreg s26  }
0xf: {  	s6 =	sadd.s32 $0x200, s21;
	s23 =	sadd.s32 $0x1000, s26;
	[dreg:$0x4] =	wrdreg s2  }
0x10: {  	s19 =	sadd.s32 $0xF00, s21;
	s24 =	sadd.s32 $0x2000, s26;
	[dreg:$0x6] =	wrdreg s23  }
0x11: {  	s5 =	sadd.s32 $0x100, s21;
	s25 =	sadd.s32 $0x3F000, s26;
	[dreg:$0x7] =	wrdreg s24  }
0x12: {  	s21 =	simm.s32 $0x5;
	s26 =	smax.u32 s20, $0x1;
	[dreg:$0x8] =	wrdreg s25  }
0x13: {  	v0 =	vlaneseq.u32;
	s2 =	sadd.s32 s22, s4;
	[dreg:$0x9] =	wrdreg s26;
	s26 =	simm.s32 $0x7  }
0x14: {  	v1 =	vshrl.u32 v0, $0x3;
	s4 =	simm.s32 $0x4;
	s22 =	simm.s32 $0x6;
	s24 =	simm.s32 $0x0  }
0x15: {  	vm0 =	vmmov $0xffff;
	v0 =	vand.u32 $0x7, v0;
	v1 =	vmul.u32 $0x8, v1;
	s23 =	sadd.s32 s0, s2;
	s0 =	simm.s32 $0x10200;
	s2 =	simm.s32 $0x3  }
.LBB2_1:
0x16: {  	s1 =	rddreg [dreg:$0x4]  }
0x17: {  	[tilespmem:s3], [sflag:$0x7] =	stream.linear.gather [hbm4b:s1+s3], $0x200, $0x38;
	[tilespmem:$0x18200] =	vst v63  }
0x18: {  	_ =	swait.ge [sflag:s26], $0x200  }
0x19: {  	[sflag:s26] =	ssyncset.done $0x0  }
0x1a: {  	[sflag:s26] =	ssyncadd.s32 $0xFFFFFE00  }
0x1b: {  	v2 =	vld.msk [tilespmem:$0x0], $0xff;
	_ =	sdelay $0x4  }
0x1c: {  	v3 =	vshll.u32 v2, $0x5  }
0x1d: {  	v2 =	vand.u32 $0x7, v2;
	v3 =	vand.u32 $0xFFFFFF00, v3  }
0x1e: {  	v2 =	vor.u32 v2, v3  }
0x1f: {  	v2 =	vperm.xlane v2, v0;
	_ =	sdelay $0x1  }
0x20: {  	v2 =	vadd.s32 v1, v2;
	_ =	sdelay $0x3  }
0x21: {  	s1 =	rddreg [dreg:$0x0]  }
0x22: {  	[tilespmem:s28], [sflag:$0x1] =	stream.indirect_vreg.gather [hbm4b:s1+s3], $0x80, v2, vm0, $0xb8;
	[tilespmem:$0x18200] =	vst v63  }
0x23: {  	s20 =	simm.s32 $0xA00  }
0x24: {  	[tilespmem:s20], [sflag:$0x1] =	stream.indirect_vreg.gather [hbm4b:s5+s3], $0x80, v2, vm0, $0xb8;
	[tilespmem:$0x18200] =	vst v63  }
0x25: {  	s25 =	simm.s32 $0x1200  }
0x26: {  	[tilespmem:s25], [sflag:$0x1] =	stream.indirect_vreg.gather [hbm4b:s6+s3], $0x80, v2, vm0, $0xb8;
	[tilespmem:$0x18200] =	vst v63  }
0x27: {  	s25 =	simm.s32 $0x1A00  }
0x28: {  	[tilespmem:s25], [sflag:$0x1] =	stream.indirect_vreg.gather [hbm4b:s7+s3], $0x80, v2, vm0, $0xb8;
	[tilespmem:$0x18200] =	vst v63  }
0x29: {  	s25 =	simm.s32 $0x2200  }
0x2a: {  	[tilespmem:s25], [sflag:$0x1] =	stream.indirect_vreg.gather [hbm4b:s8+s3], $0x80, v2, vm0, $0xb8;
	[tilespmem:$0x18200] =	vst v63  }
0x2b: {  	s25 =	simm.s32 $0x2A00  }
0x2c: {  	[tilespmem:s25], [sflag:$0x1] =	stream.indirect_vreg.gather [hbm4b:s9+s3], $0x80, v2, vm0, $0xb8;
	[tilespmem:$0x18200] =	vst v63  }
0x2d: {  	s25 =	simm.s32 $0x3200  }
0x2e: {  	[tilespmem:s25], [sflag:$0x1] =	stream.indirect_vreg.gather [hbm4b:s10+s3], $0x80, v2, vm0, $0xb8;
	[tilespmem:$0x18200] =	vst v63  }
0x2f: {  	s25 =	simm.s32 $0x3A00  }
0x30: {  	[tilespmem:s25], [sflag:$0x1] =	stream.indirect_vreg.gather [hbm4b:s11+s3], $0x80, v2, vm0, $0xb8;
	[tilespmem:$0x18200] =	vst v63  }
0x31: {  	s25 =	simm.s32 $0x4200  }
0x32: {  	[tilespmem:s25], [sflag:$0x1] =	stream.indirect_vreg.gather [hbm4b:s12+s3], $0x80, v2, vm0, $0xb8;
	[tilespmem:$0x18200] =	vst v63  }
0x33: {  	s25 =	simm.s32 $0x4A00  }
0x34: {  	[tilespmem:s25], [sflag:$0x1] =	stream.indirect_vreg.gather [hbm4b:s13+s3], $0x80, v2, vm0, $0xb8;
	[tilespmem:$0x18200] =	vst v63  }
0x35: {  	s25 =	simm.s32 $0x5200  }
0x36: {  	[tilespmem:s25], [sflag:$0x1] =	stream.indirect_vreg.gather [hbm4b:s14+s3], $0x80, v2, vm0, $0xb8;
	[tilespmem:$0x18200] =	vst v63  }
0x37: {  	s25 =	simm.s32 $0x5A00  }
0x38: {  	[tilespmem:s25], [sflag:$0x1] =	stream.indirect_vreg.gather [hbm4b:s15+s3], $0x80, v2, vm0, $0xb8;
	[tilespmem:$0x18200] =	vst v63  }
0x39: {  	s25 =	simm.s32 $0x6200  }
0x3a: {  	[tilespmem:s25], [sflag:$0x1] =	stream.indirect_vreg.gather [hbm4b:s16+s3], $0x80, v2, vm0, $0xb8;
	[tilespmem:$0x18200] =	vst v63  }
0x3b: {  	s25 =	simm.s32 $0x6A00  }
0x3c: {  	[tilespmem:s25], [sflag:$0x1] =	stream.indirect_vreg.gather [hbm4b:s17+s3], $0x80, v2, vm0, $0xb8;
	[tilespmem:$0x18200] =	vst v63  }
0x3d: {  	s25 =	simm.s32 $0x7200  }
0x3e: {  	[tilespmem:s25], [sflag:$0x1] =	stream.indirect_vreg.gather [hbm4b:s18+s3], $0x80, v2, vm0, $0xb8;
	[tilespmem:$0x18200] =	vst v63  }
0x3f: {  	s25 =	simm.s32 $0x7A00  }
0x40: {  	[tilespmem:s25], [sflag:$0x1] =	stream.indirect_vreg.gather [hbm4b:s19+s3], $0x80, v2, vm0, $0xb8;
	[tilespmem:$0x18200] =	vst v63  }
0x41: {  	v2 =	vld.msk [tilespmem:$0x8], $0xff;
	_ =	sdelay $0x4  }
0x42: {  	v3 =	vshll.u32 v2, $0x5  }
0x43: {  	v2 =	vand.u32 $0x7, v2;
	v3 =	vand.u32 $0xFFFFFF00, v3  }
0x44: {  	v2 =	vor.u32 v2, v3  }
0x45: {  	v2 =	vperm.xlane v2, v0;
	_ =	sdelay $0x1  }
0x46: {  	v2 =	vadd.s32 v1, v2;
	_ =	sdelay $0x4  }
0x47: {  	[tilespmem:s29], [sflag:$0x2] =	stream.indirect_vreg.gather [hbm4b:s1+s3], $0x80, v2, vm0, $0xb8;
	[tilespmem:$0x18200] =	vst v63  }
0x48: {  	s25 =	simm.s32 $0x8A00  }
0x49: {  	[tilespmem:s25], [sflag:$0x2] =	stream.indirect_vreg.gather [hbm4b:s5+s3], $0x80, v2, vm0, $0xb8;
	[tilespmem:$0x18200] =	vst v63  }
0x4a: {  	s25 =	simm.s32 $0x9200  }
0x4b: {  	[tilespmem:s25], [sflag:$0x2] =	stream.indirect_vreg.gather [hbm4b:s6+s3], $0x80, v2, vm0, $0xb8;
	[tilespmem:$0x18200] =	vst v63  }
0x4c: {  	s25 =	simm.s32 $0x9A00  }
0x4d: {  	[tilespmem:s25], [sflag:$0x2] =	stream.indirect_vreg.gather [hbm4b:s7+s3], $0x80, v2, vm0, $0xb8;
	[tilespmem:$0x18200] =	vst v63  }
0x4e: {  	s25 =	simm.s32 $0xA200  }
0x4f: {  	[tilespmem:s25], [sflag:$0x2] =	stream.indirect_vreg.gather [hbm4b:s8+s3], $0x80, v2, vm0, $0xb8;
	[tilespmem:$0x18200] =	vst v63  }
0x50: {  	s25 =	simm.s32 $0xAA00  }
0x51: {  	[tilespmem:s25], [sflag:$0x2] =	stream.indirect_vreg.gather [hbm4b:s9+s3], $0x80, v2, vm0, $0xb8;
	[tilespmem:$0x18200] =	vst v63  }
0x52: {  	s25 =	simm.s32 $0xB200  }
0x53: {  	[tilespmem:s25], [sflag:$0x2] =	stream.indirect_vreg.gather [hbm4b:s10+s3], $0x80, v2, vm0, $0xb8;
	[tilespmem:$0x18200] =	vst v63  }
0x54: {  	s25 =	simm.s32 $0xBA00  }
0x55: {  	[tilespmem:s25], [sflag:$0x2] =	stream.indirect_vreg.gather [hbm4b:s11+s3], $0x80, v2, vm0, $0xb8;
	[tilespmem:$0x18200] =	vst v63  }
0x56: {  	s25 =	simm.s32 $0xC200  }
0x57: {  	[tilespmem:s25], [sflag:$0x2] =	stream.indirect_vreg.gather [hbm4b:s12+s3], $0x80, v2, vm0, $0xb8;
	[tilespmem:$0x18200] =	vst v63  }
0x58: {  	s25 =	simm.s32 $0xCA00  }
0x59: {  	[tilespmem:s25], [sflag:$0x2] =	stream.indirect_vreg.gather [hbm4b:s13+s3], $0x80, v2, vm0, $0xb8;
	[tilespmem:$0x18200] =	vst v63  }
0x5a: {  	s25 =	simm.s32 $0xD200  }
0x5b: {  	[tilespmem:s25], [sflag:$0x2] =	stream.indirect_vreg.gather [hbm4b:s14+s3], $0x80, v2, vm0, $0xb8;
	[tilespmem:$0x18200] =	vst v63  }
0x5c: {  	s25 =	simm.s32 $0xDA00  }
0x5d: {  	[tilespmem:s25], [sflag:$0x2] =	stream.indirect_vreg.gather [hbm4b:s15+s3], $0x80, v2, vm0, $0xb8;
	[tilespmem:$0x18200] =	vst v63  }
0x5e: {  	s25 =	simm.s32 $0xE200  }
0x5f: {  	[tilespmem:s25], [sflag:$0x2] =	stream.indirect_vreg.gather [hbm4b:s16+s3], $0x80, v2, vm0, $0xb8;
	[tilespmem:$0x18200] =	vst v63  }
0x60: {  	s25 =	simm.s32 $0xEA00  }
0x61: {  	[tilespmem:s25], [sflag:$0x2] =	stream.indirect_vreg.gather [hbm4b:s17+s3], $0x80, v2, vm0, $0xb8;
	[tilespmem:$0x18200] =	vst v63  }
0x62: {  	s25 =	simm.s32 $0xF200  }
0x63: {  	[tilespmem:s25], [sflag:$0x2] =	stream.indirect_vreg.gather [hbm4b:s18+s3], $0x80, v2, vm0, $0xb8;
	[tilespmem:$0x18200] =	vst v63  }
0x64: {  	s25 =	simm.s32 $0xFA00  }
0x65: {  	[tilespmem:s25], [sflag:$0x2] =	stream.indirect_vreg.gather [hbm4b:s19+s3], $0x80, v2, vm0, $0xb8;
	[tilespmem:$0x18200] =	vst v63  }
0x66: {  	v2 =	vld.msk [tilespmem:$0x10], $0xff;
	_ =	sdelay $0x4  }
0x67: {  	v3 =	vshll.u32 v2, $0x5  }
0x68: {  	v2 =	vand.u32 $0x7, v2;
	v3 =	vand.u32 $0xFFFFFF00, v3  }
0x69: {  	v2 =	vor.u32 v2, v3  }
0x6a: {  	v2 =	vperm.xlane v2, v0;
	_ =	sdelay $0x1  }
0x6b: {  	v2 =	vadd.s32 v1, v2;
	_ =	sdelay $0x4  }
0x6c: {  	[tilespmem:s0], [sflag:$0x3] =	stream.indirect_vreg.gather [hbm4b:s1+s3], $0x80, v2, vm0, $0xb8;
	[tilespmem:$0x18200] =	vst v63  }
0x6d: {  	s20 =	simm.s32 $0x10A00  }
0x6e: {  	[tilespmem:s20], [sflag:$0x3] =	stream.indirect_vreg.gather [hbm4b:s5+s3], $0x80, v2, vm0, $0xb8;
	[tilespmem:$0x18200] =	vst v63  }
0x6f: {  	s25 =	simm.s32 $0x11200  }
0x70: {  	[tilespmem:s25], [sflag:$0x3] =	stream.indirect_vreg.gather [hbm4b:s6+s3], $0x80, v2, vm0, $0xb8;
	[tilespmem:$0x18200] =	vst v63  }
0x71: {  	s20 =	simm.s32 $0x11A00  }
0x72: {  	[tilespmem:s20], [sflag:$0x3] =	stream.indirect_vreg.gather [hbm4b:s7+s3], $0x80, v2, vm0, $0xb8;
	[tilespmem:$0x18200] =	vst v63  }
0x73: {  	s25 =	simm.s32 $0x12200  }
0x74: {  	[tilespmem:s25], [sflag:$0x3] =	stream.indirect_vreg.gather [hbm4b:s8+s3], $0x80, v2, vm0, $0xb8;
	[tilespmem:$0x18200] =	vst v63  }
0x75: {  	s20 =	simm.s32 $0x12A00  }
0x76: {  	[tilespmem:s20], [sflag:$0x3] =	stream.indirect_vreg.gather [hbm4b:s9+s3], $0x80, v2, vm0, $0xb8;
	[tilespmem:$0x18200] =	vst v63  }
0x77: {  	s25 =	simm.s32 $0x13200  }
0x78: {  	[tilespmem:s25], [sflag:$0x3] =	stream.indirect_vreg.gather [hbm4b:s10+s3], $0x80, v2, vm0, $0xb8;
	[tilespmem:$0x18200] =	vst v63  }
0x79: {  	s20 =	simm.s32 $0x13A00  }
0x7a: {  	[tilespmem:s20], [sflag:$0x3] =	stream.indirect_vreg.gather [hbm4b:s11+s3], $0x80, v2, vm0, $0xb8;
	[tilespmem:$0x18200] =	vst v63  }
0x7b: {  	s25 =	simm.s32 $0x14200  }
0x7c: {  	[tilespmem:s25], [sflag:$0x3] =	stream.indirect_vreg.gather [hbm4b:s12+s3], $0x80, v2, vm0, $0xb8;
	[tilespmem:$0x18200] =	vst v63  }
0x7d: {  	s20 =	simm.s32 $0x14A00  }
0x7e: {  	[tilespmem:s20], [sflag:$0x3] =	stream.indirect_vreg.gather [hbm4b:s13+s3], $0x80, v2, vm0, $0xb8;
	[tilespmem:$0x18200] =	vst v63  }
0x7f: {  	s25 =	simm.s32 $0x15200  }
0x80: {  	[tilespmem:s25], [sflag:$0x3] =	stream.indirect_vreg.gather [hbm4b:s14+s3], $0x80, v2, vm0, $0xb8;
	[tilespmem:$0x18200] =	vst v63  }
0x81: {  	s20 =	simm.s32 $0x15A00  }
0x82: {  	[tilespmem:s20], [sflag:$0x3] =	stream.indirect_vreg.gather [hbm4b:s15+s3], $0x80, v2, vm0, $0xb8;
	[tilespmem:$0x18200] =	vst v63  }
0x83: {  	s25 =	simm.s32 $0x16200  }
0x84: {  	[tilespmem:s25], [sflag:$0x3] =	stream.indirect_vreg.gather [hbm4b:s16+s3], $0x80, v2, vm0, $0xb8;
	[tilespmem:$0x18200] =	vst v63  }
0x85: {  	s20 =	simm.s32 $0x16A00  }
0x86: {  	[tilespmem:s20], [sflag:$0x3] =	stream.indirect_vreg.gather [hbm4b:s17+s3], $0x80, v2, vm0, $0xb8;
	[tilespmem:$0x18200] =	vst v63  }
0x87: {  	s25 =	simm.s32 $0x17200  }
0x88: {  	[tilespmem:s25], [sflag:$0x3] =	stream.indirect_vreg.gather [hbm4b:s18+s3], $0x80, v2, vm0, $0xb8;
	[tilespmem:$0x18200] =	vst v63  }
0x89: {  	s20 =	simm.s32 $0x17A00  }
0x8a: {  	[tilespmem:s20], [sflag:$0x3] =	stream.indirect_vreg.gather [hbm4b:s19+s3], $0x80, v2, vm0, $0xb8;
	[tilespmem:$0x18200] =	vst v63  }
0x8b: {  	_ =	swait.ge [sflag:s30], $0x8000  }
0x8c: {  	[sflag:s30] =	ssyncset.done $0x0  }
0x8d: {  	s25 =	rddreg [dreg:$0x5];
	[sflag:s30] =	ssyncadd.s32 $0xFFFF8000  }
0x8e: {  	[hbm4b:s25+s3] =	stream.linear.scatter [tilespmem:s28], [sflag:$0x4], $0x8000, $0x38;
	[tilespmem:$0x18200] =	vst v63  }
0x8f: {  	_ =	swait.ge [sflag:s31], $0x8000  }
0x90: {  	[sflag:s31] =	ssyncset.done $0x0  }
0x91: {  	s20 =	rddreg [dreg:$0x6];
	[sflag:s31] =	ssyncadd.s32 $0xFFFF8000  }
0x92: {  	[hbm4b:s20+s3] =	stream.linear.scatter [tilespmem:s29], [sflag:$0x5], $0x8000, $0x38;
	[tilespmem:$0x18200] =	vst v63  }
0x93: {  	_ =	swait.ge [sflag:s2], $0x8000  }
0x94: {  	[sflag:s2] =	ssyncset.done $0x0  }
0x95: {  	s25 =	rddreg [dreg:$0x7];
	[sflag:s2] =	ssyncadd.s32 $0xFFFF8000  }
0x96: {  	[hbm4b:s25+s3] =	stream.linear.scatter [tilespmem:s0], [sflag:$0x6], $0x8000, $0x38;
	[tilespmem:$0x18200] =	vst v63  }
0x97: {  	_ =	swait.ge [sflag:s4], $0x8000  }
0x98: {  	s20 =	sadd.s32 $0xFFFC4000, s23;
	[sflag:s4] =	ssyncset.done $0x0  }
0x99: {  	s25 =	sadd.s32 $0x3F000, s20;
	[sflag:s4] =	ssyncadd.s32 $0xFFFF8000  }
0x9a: {  	[hbm4b:s25+s3] =	stream.linear.scatter [tilespmem:s28], [sflag:$0x4], $0x8000, $0x38;
	[tilespmem:$0x18200] =	vst v63  }
0x9b: {  	_ =	swait.ge [sflag:s21], $0x8000  }
0x9c: {  	[sflag:s21] =	ssyncset.done $0x0  }
0x9d: {  	s1 =	sadd.s32 $0x40000, s20;
	[sflag:s21] =	ssyncadd.s32 $0xFFFF8000  }
0x9e: {  	[hbm4b:s1+s3] =	stream.linear.scatter [tilespmem:s29], [sflag:$0x5], $0x8000, $0x38;
	[tilespmem:$0x18200] =	vst v63  }
0x9f: {  	_ =	swait.ge [sflag:s22], $0x8000  }
0xa0: {  	[sflag:s22] =	ssyncset.done $0x0  }
0xa1: {  	s20 =	sadd.s32 $0x41000, s20;
	s25 =	simm.s32 $0xFFFC7000;
	[sflag:s22] =	ssyncadd.s32 $0xFFFF8000  }
.LBB2_2:
0xa2: {  	[hbm4b:s20+s3] =	stream.linear.scatter [tilespmem:s0], [sflag:$0x6], $0x8000, $0x38;
	[tilespmem:$0x18200] =	vst v63  }
0xa3: {  	s20 =	smov.u32 s25  }
0xa4: {  	p0 =	sne.s32 s25, $0xFFFFD000;
	s25 =	sadd.s32 $0x3000, s25;
	_ =	swait.ge [sflag:s4], $0x8000  }
0xa5: {  	s20 =	sadd.s32 s20, s23;
	[sflag:s4] =	ssyncset.done $0x0  }
0xa6: {  	s1 =	sadd.s32 $0x3F000, s20;
	[sflag:s4] =	ssyncadd.s32 $0xFFFF8000  }
0xa7: {  	[hbm4b:s1+s3] =	stream.linear.scatter [tilespmem:s28], [sflag:$0x4], $0x8000, $0x38;
	[tilespmem:$0x18200] =	vst v63  }
0xa8: {  	_ =	swait.ge [sflag:s21], $0x8000  }
0xa9: {  	[sflag:s21] =	ssyncset.done $0x0  }
.Ltmp0:
0xaa: {  	s1 =	sadd.s32 $0x40000, s20;
	[sflag:s21] =	ssyncadd.s32 $0xFFFF8000;
	(pc) =	sbr.rel @p0 .LBB2_2-.Ltmp0, $4  }
0xab: {  	[hbm4b:s1+s3] =	stream.linear.scatter [tilespmem:s29], [sflag:$0x5], $0x8000, $0x38;
	[tilespmem:$0x18200] =	vst v63  }
0xac: {  	_ =	swait.ge [sflag:s22], $0x8000  }
0xad: {  	[sflag:s22] =	ssyncset.done $0x0  }
0xae: {  	s20 =	sadd.s32 $0x41000, s20;
	[sflag:s22] =	ssyncadd.s32 $0xFFFF8000  }
0xaf: {  	[hbm4b:s20+s3] =	stream.linear.scatter [tilespmem:s0], [sflag:$0x6], $0x8000, $0x38;
	[tilespmem:$0x18200] =	vst v63  }
0xb0: {  	_ =	swait.ge [sflag:s4], $0x8000  }
0xb1: {  	[sflag:s4] =	ssyncset.done $0x0  }
0xb2: {  	s1 =	rddreg [dreg:$0x8];
	[sflag:s4] =	ssyncadd.s32 $0xFFFF8000  }
0xb3: {  	[hbm4b:s1+s3] =	stream.linear.scatter [tilespmem:s28], [sflag:$0x4], $0x8000, $0x38;
	[tilespmem:$0x18200] =	vst v63  }
0xb4: {  	_ =	swait.ge [sflag:s21], $0x8000  }
0xb5: {  	[sflag:s21] =	ssyncset.done $0x0  }
0xb6: {  	[sflag:s21] =	ssyncadd.s32 $0xFFFF8000  }
0xb7: {  	_ =	swait.ge [sflag:s22], $0x8000  }
0xb8: {  	[sflag:s22] =	ssyncset.done $0x0  }
0xb9: {  	[sflag:s22] =	ssyncadd.s32 $0xFFFF8000  }
0xba: {  	_ =	swait.ge [sflag:s4], $0x8000  }
0xbb: {  	s24 =	sadd.s32 $0x1, s24;
	s25 =	rddreg [dreg:$0x9]  }
0xbc: {  	p0 =	sne.s32 s24, s25  }
.Ltmp1:
0xbd: {  	_ = 	snop;
	(pc) =	sbr.rel @p0 .LBB2_1-.Ltmp1, $3  }
0xbe: {  	_ =	sdelay $0x1  }
0xbf: {  	[sflag:s4] =	ssyncset.done $0x0  }
0xc0: {  	[sflag:s4] =	ssyncadd.s32 $0xFFFF8000  }
0xc1: {  	_ =	sfence.sel $0x180000  }
0xc2: {  	[bflag:$0x0] =	sbarrier.arrive $0xFFFF  }
0xc3: {  	_ =	strace $0x90000047  }
0xc4: {  	s0 =	stileid.u32;
	[bflag:$0x2] =	sbarrier.arrive $0xFFFF  }
0xc5: {  	p0 =	sne.s32 s0, $0x0;
	s0 =	rddreg [dreg:$0x3]  }
0xc6: {  	s0 =	sadd.s32 @!p0 $0x100000, s0  }
0xc7: {  	[sflag:s0] =	ssyncadd.tile.s32 @!p0 $0x1;
	_ =	shalt  }
.Lfunc_end2:
_tile_overlayer_lowered:
.L_overlay_start_2:
0xc8: {  	(tag) =	ssettag $0x2  }
0xc9: {  	s0 =	rddreg [dreg:$0x0];
	s2 =	stileid.u32  }
0xca: {  	s1 =	rddreg [dreg:$0x1];
	p0 =	sne.s32 s2, $0x0  }
0xcb: {  	s3 =	rddreg [dreg:$0x2];
	[bflag:$0x3] =	sbarrier.arrive $0xFFFF;
	s2 =	simm.s32 @!p0 $0x1C07  }
0xcc: {  	[timem:s3], [sflag:s2] =	dma.local @!p0 [hbm:s0], s1  }
0xcd: {  	s0 =	simm.s32 @!p0 $0x7  }
0xce: {  	_ =	swait.ge @!p0 [sflag:s0], s1  }
0xcf: {  	s1 =	ssub.s32 @!p0 $0x0, s1;
	[sflag:s0] =	ssyncset.done @!p0 $0x0  }
0xd0: {  	[sflag:s0] =	ssyncadd.s32 @!p0 s1  }
0xd1: {  	[bflag:$0x3] =	sbarrier.arrive $0xFFFF  }
0xd2: {  	_ =	shalt  }

</sc_bundles>
